<compile_context>
chip_gen: v7x
topology: tpu7x:2x2x1
jax: 0.10.2.dev20260603
libtpu: 0.0.44.dev20260713+nightly
codegen_flags: <defaults>
</compile_context>

<pallas_src>
import functools

import jax
import jax.numpy as jnp
from jax import lax
from jax.experimental import pallas as pl
from jax.experimental.pallas import tpu as pltpu
from jax.experimental.pallas import tpu_sc as plsc

_N_CLASSES = 1000000
_DIM = 64
_B = 16384

_NC = 2
_NS = 16
_NW = _NC * _NS
_BPW = _B // _NW
_L = 16

_mesh = plsc.VectorSubcoreMesh(core_axis_name="c", subcore_axis_name="s")


@functools.partial(
    pl.kernel,
    mesh=_mesh,
    out_type=jax.ShapeDtypeStruct((_B, _DIM), jnp.float32),
    scratch_types=[
        pltpu.VMEM((_BPW,), jnp.int32),
        pltpu.VMEM((_BPW,), jnp.int32),
        pltpu.SemaphoreType.DMA,
    ],
)
def _embed_lookup(cond_hbm, unc_hbm, tab_hbm, out_hbm, cond_v, unc_v, sem):
    wid = lax.axis_index("s") * _NC + lax.axis_index("c")
    base = wid * _BPW
    pltpu.sync_copy(cond_hbm.at[pl.ds(base, _BPW)], cond_v)
    pltpu.sync_copy(unc_hbm.at[pl.ds(base, _BPW)], unc_v)

    def chunk(c, carry):
        cv = cond_v[pl.ds(c * _L, _L)]
        uv = unc_v[pl.ds(c * _L, _L)]
        sel = jnp.where(uv != 0, jnp.full((_L,), _N_CLASSES, jnp.int32), cv)
        for l in range(_L):
            pltpu.async_copy(
                tab_hbm.at[pl.ds(sel[l], 1)],
                out_hbm.at[pl.ds(base + c * _L + l, 1)],
                sem)
        return carry

    lax.fori_loop(0, _BPW // _L, chunk, 0)

    pltpu.make_async_copy(
        tab_hbm.at[pl.ds(0, _BPW)],
        out_hbm.at[pl.ds(base, _BPW)],
        sem).wait()


def kernel(condition, is_uncond, embed):
    return _embed_lookup(condition.astype(jnp.int32),
                         is_uncond.astype(jnp.int32),
                         embed)

# --- scband reference (transcript-rebuilt; emitter-appended) ---
"""Pipeline reference for scband-class-embedding-2456721293878 (READ-ONLY COPY).

The authoritative reference and input builder live on the scoring server;
editing this copy changes nothing except your own understanding.
"""

import jax, jax.numpy as jnp
import numpy as np

N_CLASSES = 1000000
DIM = 64
B = 16384

def setup_inputs(seed: int = 0) -> dict:
    key = jax.random.key(seed)
    k1, k2, k3 = jax.random.split(key, 3)
    condition = jax.random.randint(k1, (B,), 0, N_CLASSES)
    is_uncond = jax.random.randint(k2, (B,), 0, 2).astype(bool)
    embed = jax.random.normal(k3, (N_CLASSES + 1, DIM), dtype=jnp.float32)
    return {"condition": condition, "is_uncond": is_uncond, "embed": embed}

def reference(condition, is_uncond, embed):
    uncond_class = jnp.full((condition.shape[0],), N_CLASSES, dtype=condition.dtype)
    cond = jnp.where(is_uncond, uncond_class, condition)
    out = jnp.take(embed, cond, axis=0)
    return out

if __name__ == "__main__":
    import jax
    _d = setup_inputs()
    print(jax.jit(kernel)(*tuple(_d.values())))

</pallas_src>

<mosaic_0001>
#map = affine_map<(d0, d1) -> (0)>
#map1 = affine_map<(d0, d1) -> (0, 0)>
module attributes {stable_mosaic.version = 14 : i64} {
  func.func @_embed_lookup(%arg0: i32, %arg1: i32, %arg2: memref<16384xi32, #tpu.memory_space<hbm>>, %arg3: memref<16384xi32, #tpu.memory_space<hbm>>, %arg4: memref<1000001x64xf32, #tpu.memory_space<hbm>>, %arg5: memref<16384x64xf32, #tpu.memory_space<hbm>>, %arg6: memref<512xi32, #tpu.memory_space<vmem>>, %arg7: memref<512xi32, #tpu.memory_space<vmem>>, %arg8: memref<!tpu.dma_semaphore, #tpu.memory_space<semaphore_mem>>) attributes {dimension_semantics = [#tpu.dimension_semantics<core_parallel>, #tpu.dimension_semantics<subcore_parallel>], iteration_bounds = array<i64: 2, 16>, scalar_prefetch = 0 : i64, scratch_operands = 3 : i64, tpu.core_type = #tpu.core_type<sc_vector_subcore>, window_params = [{transform_indices = #map}, {transform_indices = #map}, {transform_indices = #map1}, {transform_indices = #map1}]} {
    %mul3A = arith.constant 2 : i32
    %mul3A_0 = arith.muli %arg1, %mul3A : i32
    %add3A = arith.addi %mul3A_0, %arg0 : i32
    %mul3A_1 = arith.constant 512 : i32
    %mul3A_2 = arith.muli %add3A, %mul3A_1 : i32
    "tpu.region"() ({
      %run_scoped3A = tpu.sem_alloc : memref<!tpu.dma_semaphore, #tpu.memory_space<semaphore_mem>>
      %dma_start3A = tpu.memref_slice %arg2[%mul3A_2] : memref<16384xi32, #tpu.memory_space<hbm>> -> memref<512xi32, #tpu.memory_space<hbm>>
      %dma_start3A_12 = tpu.memref_slice %arg2[%mul3A_2] : memref<16384xi32, #tpu.memory_space<hbm>> -> memref<512xi32, #tpu.memory_space<hbm>>
      tpu.enqueue_dma source(%dma_start3A_12 : memref<512xi32, #tpu.memory_space<hbm>>) target(%arg6 : memref<512xi32, #tpu.memory_space<vmem>>) target_semaphore(%run_scoped3A : memref<!tpu.dma_semaphore, #tpu.memory_space<semaphore_mem>>)
      %dma_wait3A_13 = tpu.memref_slice %arg2[%mul3A_2] : memref<16384xi32, #tpu.memory_space<hbm>> -> memref<512xi32, #tpu.memory_space<hbm>>
      %dma_wait3A_14 = tpu.memref_slice %arg2[%mul3A_2] : memref<16384xi32, #tpu.memory_space<hbm>> -> memref<512xi32, #tpu.memory_space<hbm>>
      tpu.wait_dma2 semaphore(%run_scoped3A : memref<!tpu.dma_semaphore, #tpu.memory_space<semaphore_mem>>) src(%dma_wait3A_14 : memref<512xi32, #tpu.memory_space<hbm>>) dst(%arg6 : memref<512xi32, #tpu.memory_space<vmem>>)
      tpu.yield
    }) : () -> ()
    "tpu.region"() ({
      %run_scoped3A = tpu.sem_alloc : memref<!tpu.dma_semaphore, #tpu.memory_space<semaphore_mem>>
      %dma_start3A = tpu.memref_slice %arg3[%mul3A_2] : memref<16384xi32, #tpu.memory_space<hbm>> -> memref<512xi32, #tpu.memory_space<hbm>>
      %dma_start3A_12 = tpu.memref_slice %arg3[%mul3A_2] : memref<16384xi32, #tpu.memory_space<hbm>> -> memref<512xi32, #tpu.memory_space<hbm>>
      tpu.enqueue_dma source(%dma_start3A_12 : memref<512xi32, #tpu.memory_space<hbm>>) target(%arg7 : memref<512xi32, #tpu.memory_space<vmem>>) target_semaphore(%run_scoped3A : memref<!tpu.dma_semaphore, #tpu.memory_space<semaphore_mem>>)
      %dma_wait3A_13 = tpu.memref_slice %arg3[%mul3A_2] : memref<16384xi32, #tpu.memory_space<hbm>> -> memref<512xi32, #tpu.memory_space<hbm>>
      %dma_wait3A_14 = tpu.memref_slice %arg3[%mul3A_2] : memref<16384xi32, #tpu.memory_space<hbm>> -> memref<512xi32, #tpu.memory_space<hbm>>
      tpu.wait_dma2 semaphore(%run_scoped3A : memref<!tpu.dma_semaphore, #tpu.memory_space<semaphore_mem>>) src(%dma_wait3A_14 : memref<512xi32, #tpu.memory_space<hbm>>) dst(%arg7 : memref<512xi32, #tpu.memory_space<vmem>>)
      tpu.yield
    }) : () -> ()
    %scan3A = arith.constant 0 : i32
    %scan3A_3 = arith.constant 0 : i32
    %scan3A_4 = arith.constant 32 : i32
    %scan3A_5 = arith.addi %scan3A_3, %scan3A_4 : i32
    %scan3A_6 = arith.constant 1 : i32
    scf.for %scan3A_12 = %scan3A_3 to %scan3A_5 step %scan3A_6  : i32 {
      %mul3A_13 = arith.constant 16 : i32
      %mul3A_14 = arith.muli %scan3A_12, %mul3A_13 : i32
      %get3A = arith.index_cast %mul3A_14 : i32 to index
      %get3A_15 = tpu.vector_load %arg6[%get3A] {strides = array<i32>} : memref<512xi32, #tpu.memory_space<vmem>>, vector<16xi32>,
      %get3A_16 = vector.shape_cast %get3A_15 : vector<16xi32> to vector<16xi32>
      %mul3A_17 = arith.constant 16 : i32
      %mul3A_18 = arith.muli %scan3A_12, %mul3A_17 : i32
      %get3A_19 = arith.index_cast %mul3A_18 : i32 to index
      %get3A_20 = tpu.vector_load %arg7[%get3A_19] {strides = array<i32>} : memref<512xi32, #tpu.memory_space<vmem>>, vector<16xi32>,
      %get3A_21 = vector.shape_cast %get3A_20 : vector<16xi32> to vector<16xi32>
      %ne3A = arith.constant 0 : i32
      %ne3A_22 = vector.broadcast %ne3A : i32 to vector<16xi32>
      %ne3A_23 = arith.cmpi ne, %get3A_21, %ne3A_22 : vector<16xi32>
      %broadcast_in_dim3A = arith.constant 1000000 : i32
      %broadcast_in_dim3A_24 = vector.broadcast %broadcast_in_dim3A : i32 to vector<16xi32>
      %select_n3A = arith.select %ne3A_23, %broadcast_in_dim3A_24, %get3A_16 : vector<16xi1>, vector<16xi32>
      %slice3A = vector.extract_strided_slice %select_n3A {offsets = [0], sizes = [1], strides = [1]} : vector<16xi32> to vector<1xi32>
      %squeeze3A = vector.extract %slice3A[0] : i32 from vector<1xi32>
      %mul3A_25 = arith.constant 16 : i32
      %mul3A_26 = arith.muli %scan3A_12, %mul3A_25 : i32
      %add3A_27 = arith.addi %mul3A_2, %mul3A_26 : i32
      %add3A_28 = arith.constant 0 : i32
      %add3A_29 = arith.addi %add3A_27, %add3A_28 : i32
      %dma_start3A = arith.constant 0 : i32
      %dma_start3A_30 = tpu.memref_slice %arg5[%add3A_29, %dma_start3A] : memref<16384x64xf32, #tpu.memory_space<hbm>> -> memref<1x64xf32, #tpu.memory_space<hbm>>
      %dma_start3A_31 = arith.constant 0 : i32
      %dma_start3A_32 = tpu.memref_slice %arg4[%squeeze3A, %dma_start3A_31] : memref<1000001x64xf32, #tpu.memory_space<hbm>> -> memref<1x64xf32, #tpu.memory_space<hbm>>
      tpu.enqueue_dma source(%dma_start3A_32 : memref<1x64xf32, #tpu.memory_space<hbm>>) target(%dma_start3A_30 : memref<1x64xf32, #tpu.memory_space<hbm>>) target_semaphore(%arg8 : memref<!tpu.dma_semaphore, #tpu.memory_space<semaphore_mem>>)
      %slice3A_33 = vector.extract_strided_slice %select_n3A {offsets = [1], sizes = [1], strides = [1]} : vector<16xi32> to vector<1xi32>
      %squeeze3A_34 = vector.extract %slice3A_33[0] : i32 from vector<1xi32>
      %mul3A_35 = arith.constant 16 : i32
      %mul3A_36 = arith.muli %scan3A_12, %mul3A_35 : i32
      %add3A_37 = arith.addi %mul3A_2, %mul3A_36 : i32
      %add3A_38 = arith.constant 1 : i32
      %add3A_39 = arith.addi %add3A_37, %add3A_38 : i32
      %dma_start3A_40 = arith.constant 0 : i32
      %dma_start3A_41 = tpu.memref_slice %arg5[%add3A_39, %dma_start3A_40] : memref<16384x64xf32, #tpu.memory_space<hbm>> -> memref<1x64xf32, #tpu.memory_space<hbm>>
      %dma_start3A_42 = arith.constant 0 : i32
      %dma_start3A_43 = tpu.memref_slice %arg4[%squeeze3A_34, %dma_start3A_42] : memref<1000001x64xf32, #tpu.memory_space<hbm>> -> memref<1x64xf32, #tpu.memory_space<hbm>>
      tpu.enqueue_dma source(%dma_start3A_43 : memref<1x64xf32, #tpu.memory_space<hbm>>) target(%dma_start3A_41 : memref<1x64xf32, #tpu.memory_space<hbm>>) target_semaphore(%arg8 : memref<!tpu.dma_semaphore, #tpu.memory_space<semaphore_mem>>)
      %slice3A_44 = vector.extract_strided_slice %select_n3A {offsets = [2], sizes = [1], strides = [1]} : vector<16xi32> to vector<1xi32>
      %squeeze3A_45 = vector.extract %slice3A_44[0] : i32 from vector<1xi32>
      %mul3A_46 = arith.constant 16 : i32
      %mul3A_47 = arith.muli %scan3A_12, %mul3A_46 : i32
      %add3A_48 = arith.addi %mul3A_2, %mul3A_47 : i32
      %add3A_49 = arith.constant 2 : i32
      %add3A_50 = arith.addi %add3A_48, %add3A_49 : i32
      %dma_start3A_51 = arith.constant 0 : i32
      %dma_start3A_52 = tpu.memref_slice %arg5[%add3A_50, %dma_start3A_51] : memref<16384x64xf32, #tpu.memory_space<hbm>> -> memref<1x64xf32, #tpu.memory_space<hbm>>
      %dma_start3A_53 = arith.constant 0 : i32
      %dma_start3A_54 = tpu.memref_slice %arg4[%squeeze3A_45, %dma_start3A_53] : memref<1000001x64xf32, #tpu.memory_space<hbm>> -> memref<1x64xf32, #tpu.memory_space<hbm>>
      tpu.enqueue_dma source(%dma_start3A_54 : memref<1x64xf32, #tpu.memory_space<hbm>>) target(%dma_start3A_52 : memref<1x64xf32, #tpu.memory_space<hbm>>) target_semaphore(%arg8 : memref<!tpu.dma_semaphore, #tpu.memory_space<semaphore_mem>>)
      %slice3A_55 = vector.extract_strided_slice %select_n3A {offsets = [3], sizes = [1], strides = [1]} : vector<16xi32> to vector<1xi32>
      %squeeze3A_56 = vector.extract %slice3A_55[0] : i32 from vector<1xi32>
      %mul3A_57 = arith.constant 16 : i32
      %mul3A_58 = arith.muli %scan3A_12, %mul3A_57 : i32
      %add3A_59 = arith.addi %mul3A_2, %mul3A_58 : i32
      %add3A_60 = arith.constant 3 : i32
      %add3A_61 = arith.addi %add3A_59, %add3A_60 : i32
      %dma_start3A_62 = arith.constant 0 : i32
      %dma_start3A_63 = tpu.memref_slice %arg5[%add3A_61, %dma_start3A_62] : memref<16384x64xf32, #tpu.memory_space<hbm>> -> memref<1x64xf32, #tpu.memory_space<hbm>>
      %dma_start3A_64 = arith.constant 0 : i32
      %dma_start3A_65 = tpu.memref_slice %arg4[%squeeze3A_56, %dma_start3A_64] : memref<1000001x64xf32, #tpu.memory_space<hbm>> -> memref<1x64xf32, #tpu.memory_space<hbm>>
      tpu.enqueue_dma source(%dma_start3A_65 : memref<1x64xf32, #tpu.memory_space<hbm>>) target(%dma_start3A_63 : memref<1x64xf32, #tpu.memory_space<hbm>>) target_semaphore(%arg8 : memref<!tpu.dma_semaphore, #tpu.memory_space<semaphore_mem>>)
      %slice3A_66 = vector.extract_strided_slice %select_n3A {offsets = [4], sizes = [1], strides = [1]} : vector<16xi32> to vector<1xi32>
      %squeeze3A_67 = vector.extract %slice3A_66[0] : i32 from vector<1xi32>
      %mul3A_68 = arith.constant 16 : i32
      %mul3A_69 = arith.muli %scan3A_12, %mul3A_68 : i32
      %add3A_70 = arith.addi %mul3A_2, %mul3A_69 : i32
      %add3A_71 = arith.constant 4 : i32
      %add3A_72 = arith.addi %add3A_70, %add3A_71 : i32
      %dma_start3A_73 = arith.constant 0 : i32
      %dma_start3A_74 = tpu.memref_slice %arg5[%add3A_72, %dma_start3A_73] : memref<16384x64xf32, #tpu.memory_space<hbm>> -> memref<1x64xf32, #tpu.memory_space<hbm>>
      %dma_start3A_75 = arith.constant 0 : i32
      %dma_start3A_76 = tpu.memref_slice %arg4[%squeeze3A_67, %dma_start3A_75] : memref<1000001x64xf32, #tpu.memory_space<hbm>> -> memref<1x64xf32, #tpu.memory_space<hbm>>
      tpu.enqueue_dma source(%dma_start3A_76 : memref<1x64xf32, #tpu.memory_space<hbm>>) target(%dma_start3A_74 : memref<1x64xf32, #tpu.memory_space<hbm>>) target_semaphore(%arg8 : memref<!tpu.dma_semaphore, #tpu.memory_space<semaphore_mem>>)
      %slice3A_77 = vector.extract_strided_slice %select_n3A {offsets = [5], sizes = [1], strides = [1]} : vector<16xi32> to vector<1xi32>
      %squeeze3A_78 = vector.extract %slice3A_77[0] : i32 from vector<1xi32>
      %mul3A_79 = arith.constant 16 : i32
      %mul3A_80 = arith.muli %scan3A_12, %mul3A_79 : i32
      %add3A_81 = arith.addi %mul3A_2, %mul3A_80 : i32
      %add3A_82 = arith.constant 5 : i32
      %add3A_83 = arith.addi %add3A_81, %add3A_82 : i32
      %dma_start3A_84 = arith.constant 0 : i32
      %dma_start3A_85 = tpu.memref_slice %arg5[%add3A_83, %dma_start3A_84] : memref<16384x64xf32, #tpu.memory_space<hbm>> -> memref<1x64xf32, #tpu.memory_space<hbm>>
      %dma_start3A_86 = arith.constant 0 : i32
      %dma_start3A_87 = tpu.memref_slice %arg4[%squeeze3A_78, %dma_start3A_86] : memref<1000001x64xf32, #tpu.memory_space<hbm>> -> memref<1x64xf32, #tpu.memory_space<hbm>>
      tpu.enqueue_dma source(%dma_start3A_87 : memref<1x64xf32, #tpu.memory_space<hbm>>) target(%dma_start3A_85 : memref<1x64xf32, #tpu.memory_space<hbm>>) target_semaphore(%arg8 : memref<!tpu.dma_semaphore, #tpu.memory_space<semaphore_mem>>)
      %slice3A_88 = vector.extract_strided_slice %select_n3A {offsets = [6], sizes = [1], strides = [1]} : vector<16xi32> to vector<1xi32>
      %squeeze3A_89 = vector.extract %slice3A_88[0] : i32 from vector<1xi32>
      %mul3A_90 = arith.constant 16 : i32
      %mul3A_91 = arith.muli %scan3A_12, %mul3A_90 : i32
      %add3A_92 = arith.addi %mul3A_2, %mul3A_91 : i32
      %add3A_93 = arith.constant 6 : i32
      %add3A_94 = arith.addi %add3A_92, %add3A_93 : i32
      %dma_start3A_95 = arith.constant 0 : i32
      %dma_start3A_96 = tpu.memref_slice %arg5[%add3A_94, %dma_start3A_95] : memref<16384x64xf32, #tpu.memory_space<hbm>> -> memref<1x64xf32, #tpu.memory_space<hbm>>
      %dma_start3A_97 = arith.constant 0 : i32
      %dma_start3A_98 = tpu.memref_slice %arg4[%squeeze3A_89, %dma_start3A_97] : memref<1000001x64xf32, #tpu.memory_space<hbm>> -> memref<1x64xf32, #tpu.memory_space<hbm>>
      tpu.enqueue_dma source(%dma_start3A_98 : memref<1x64xf32, #tpu.memory_space<hbm>>) target(%dma_start3A_96 : memref<1x64xf32, #tpu.memory_space<hbm>>) target_semaphore(%arg8 : memref<!tpu.dma_semaphore, #tpu.memory_space<semaphore_mem>>)
      %slice3A_99 = vector.extract_strided_slice %select_n3A {offsets = [7], sizes = [1], strides = [1]} : vector<16xi32> to vector<1xi32>
      %squeeze3A_100 = vector.extract %slice3A_99[0] : i32 from vector<1xi32>
      %mul3A_101 = arith.constant 16 : i32
      %mul3A_102 = arith.muli %scan3A_12, %mul3A_101 : i32
      %add3A_103 = arith.addi %mul3A_2, %mul3A_102 : i32
      %add3A_104 = arith.constant 7 : i32
      %add3A_105 = arith.addi %add3A_103, %add3A_104 : i32
      %dma_start3A_106 = arith.constant 0 : i32
      %dma_start3A_107 = tpu.memref_slice %arg5[%add3A_105, %dma_start3A_106] : memref<16384x64xf32, #tpu.memory_space<hbm>> -> memref<1x64xf32, #tpu.memory_space<hbm>>
      %dma_start3A_108 = arith.constant 0 : i32
      %dma_start3A_109 = tpu.memref_slice %arg4[%squeeze3A_100, %dma_start3A_108] : memref<1000001x64xf32, #tpu.memory_space<hbm>> -> memref<1x64xf32, #tpu.memory_space<hbm>>
      tpu.enqueue_dma source(%dma_start3A_109 : memref<1x64xf32, #tpu.memory_space<hbm>>) target(%dma_start3A_107 : memref<1x64xf32, #tpu.memory_space<hbm>>) target_semaphore(%arg8 : memref<!tpu.dma_semaphore, #tpu.memory_space<semaphore_mem>>)
      %slice3A_110 = vector.extract_strided_slice %select_n3A {offsets = [8], sizes = [1], strides = [1]} : vector<16xi32> to vector<1xi32>
      %squeeze3A_111 = vector.extract %slice3A_110[0] : i32 from vector<1xi32>
      %mul3A_112 = arith.constant 16 : i32
      %mul3A_113 = arith.muli %scan3A_12, %mul3A_112 : i32
      %add3A_114 = arith.addi %mul3A_2, %mul3A_113 : i32
      %add3A_115 = arith.constant 8 : i32
      %add3A_116 = arith.addi %add3A_114, %add3A_115 : i32
      %dma_start3A_117 = arith.constant 0 : i32
      %dma_start3A_118 = tpu.memref_slice %arg5[%add3A_116, %dma_start3A_117] : memref<16384x64xf32, #tpu.memory_space<hbm>> -> memref<1x64xf32, #tpu.memory_space<hbm>>
      %dma_start3A_119 = arith.constant 0 : i32
      %dma_start3A_120 = tpu.memref_slice %arg4[%squeeze3A_111, %dma_start3A_119] : memref<1000001x64xf32, #tpu.memory_space<hbm>> -> memref<1x64xf32, #tpu.memory_space<hbm>>
      tpu.enqueue_dma source(%dma_start3A_120 : memref<1x64xf32, #tpu.memory_space<hbm>>) target(%dma_start3A_118 : memref<1x64xf32, #tpu.memory_space<hbm>>) target_semaphore(%arg8 : memref<!tpu.dma_semaphore, #tpu.memory_space<semaphore_mem>>)
      %slice3A_121 = vector.extract_strided_slice %select_n3A {offsets = [9], sizes = [1], strides = [1]} : vector<16xi32> to vector<1xi32>
      %squeeze3A_122 = vector.extract %slice3A_121[0] : i32 from vector<1xi32>
      %mul3A_123 = arith.constant 16 : i32
      %mul3A_124 = arith.muli %scan3A_12, %mul3A_123 : i32
      %add3A_125 = arith.addi %mul3A_2, %mul3A_124 : i32
      %add3A_126 = arith.constant 9 : i32
      %add3A_127 = arith.addi %add3A_125, %add3A_126 : i32
      %dma_start3A_128 = arith.constant 0 : i32
      %dma_start3A_129 = tpu.memref_slice %arg5[%add3A_127, %dma_start3A_128] : memref<16384x64xf32, #tpu.memory_space<hbm>> -> memref<1x64xf32, #tpu.memory_space<hbm>>
      %dma_start3A_130 = arith.constant 0 : i32
      %dma_start3A_131 = tpu.memref_slice %arg4[%squeeze3A_122, %dma_start3A_130] : memref<1000001x64xf32, #tpu.memory_space<hbm>> -> memref<1x64xf32, #tpu.memory_space<hbm>>
      tpu.enqueue_dma source(%dma_start3A_131 : memref<1x64xf32, #tpu.memory_space<hbm>>) target(%dma_start3A_129 : memref<1x64xf32, #tpu.memory_space<hbm>>) target_semaphore(%arg8 : memref<!tpu.dma_semaphore, #tpu.memory_space<semaphore_mem>>)
      %slice3A_132 = vector.extract_strided_slice %select_n3A {offsets = [10], sizes = [1], strides = [1]} : vector<16xi32> to vector<1xi32>
      %squeeze3A_133 = vector.extract %slice3A_132[0] : i32 from vector<1xi32>
      %mul3A_134 = arith.constant 16 : i32
      %mul3A_135 = arith.muli %scan3A_12, %mul3A_134 : i32
      %add3A_136 = arith.addi %mul3A_2, %mul3A_135 : i32
      %add3A_137 = arith.constant 10 : i32
      %add3A_138 = arith.addi %add3A_136, %add3A_137 : i32
      %dma_start3A_139 = arith.constant 0 : i32
      %dma_start3A_140 = tpu.memref_slice %arg5[%add3A_138, %dma_start3A_139] : memref<16384x64xf32, #tpu.memory_space<hbm>> -> memref<1x64xf32, #tpu.memory_space<hbm>>
      %dma_start3A_141 = arith.constant 0 : i32
      %dma_start3A_142 = tpu.memref_slice %arg4[%squeeze3A_133, %dma_start3A_141] : memref<1000001x64xf32, #tpu.memory_space<hbm>> -> memref<1x64xf32, #tpu.memory_space<hbm>>
      tpu.enqueue_dma source(%dma_start3A_142 : memref<1x64xf32, #tpu.memory_space<hbm>>) target(%dma_start3A_140 : memref<1x64xf32, #tpu.memory_space<hbm>>) target_semaphore(%arg8 : memref<!tpu.dma_semaphore, #tpu.memory_space<semaphore_mem>>)
      %slice3A_143 = vector.extract_strided_slice %select_n3A {offsets = [11], sizes = [1], strides = [1]} : vector<16xi32> to vector<1xi32>
      %squeeze3A_144 = vector.extract %slice3A_143[0] : i32 from vector<1xi32>
      %mul3A_145 = arith.constant 16 : i32
      %mul3A_146 = arith.muli %scan3A_12, %mul3A_145 : i32
      %add3A_147 = arith.addi %mul3A_2, %mul3A_146 : i32
      %add3A_148 = arith.constant 11 : i32
      %add3A_149 = arith.addi %add3A_147, %add3A_148 : i32
      %dma_start3A_150 = arith.constant 0 : i32
      %dma_start3A_151 = tpu.memref_slice %arg5[%add3A_149, %dma_start3A_150] : memref<16384x64xf32, #tpu.memory_space<hbm>> -> memref<1x64xf32, #tpu.memory_space<hbm>>
      %dma_start3A_152 = arith.constant 0 : i32
      %dma_start3A_153 = tpu.memref_slice %arg4[%squeeze3A_144, %dma_start3A_152] : memref<1000001x64xf32, #tpu.memory_space<hbm>> -> memref<1x64xf32, #tpu.memory_space<hbm>>
      tpu.enqueue_dma source(%dma_start3A_153 : memref<1x64xf32, #tpu.memory_space<hbm>>) target(%dma_start3A_151 : memref<1x64xf32, #tpu.memory_space<hbm>>) target_semaphore(%arg8 : memref<!tpu.dma_semaphore, #tpu.memory_space<semaphore_mem>>)
      %slice3A_154 = vector.extract_strided_slice %select_n3A {offsets = [12], sizes = [1], strides = [1]} : vector<16xi32> to vector<1xi32>
      %squeeze3A_155 = vector.extract %slice3A_154[0] : i32 from vector<1xi32>
      %mul3A_156 = arith.constant 16 : i32
      %mul3A_157 = arith.muli %scan3A_12, %mul3A_156 : i32
      %add3A_158 = arith.addi %mul3A_2, %mul3A_157 : i32
      %add3A_159 = arith.constant 12 : i32
      %add3A_160 = arith.addi %add3A_158, %add3A_159 : i32
      %dma_start3A_161 = arith.constant 0 : i32
      %dma_start3A_162 = tpu.memref_slice %arg5[%add3A_160, %dma_start3A_161] : memref<16384x64xf32, #tpu.memory_space<hbm>> -> memref<1x64xf32, #tpu.memory_space<hbm>>
      %dma_start3A_163 = arith.constant 0 : i32
      %dma_start3A_164 = tpu.memref_slice %arg4[%squeeze3A_155, %dma_start3A_163] : memref<1000001x64xf32, #tpu.memory_space<hbm>> -> memref<1x64xf32, #tpu.memory_space<hbm>>
      tpu.enqueue_dma source(%dma_start3A_164 : memref<1x64xf32, #tpu.memory_space<hbm>>) target(%dma_start3A_162 : memref<1x64xf32, #tpu.memory_space<hbm>>) target_semaphore(%arg8 : memref<!tpu.dma_semaphore, #tpu.memory_space<semaphore_mem>>)
      %slice3A_165 = vector.extract_strided_slice %select_n3A {offsets = [13], sizes = [1], strides = [1]} : vector<16xi32> to vector<1xi32>
      %squeeze3A_166 = vector.extract %slice3A_165[0] : i32 from vector<1xi32>
      %mul3A_167 = arith.constant 16 : i32
      %mul3A_168 = arith.muli %scan3A_12, %mul3A_167 : i32
      %add3A_169 = arith.addi %mul3A_2, %mul3A_168 : i32
      %add3A_170 = arith.constant 13 : i32
      %add3A_171 = arith.addi %add3A_169, %add3A_170 : i32
      %dma_start3A_172 = arith.constant 0 : i32
      %dma_start3A_173 = tpu.memref_slice %arg5[%add3A_171, %dma_start3A_172] : memref<16384x64xf32, #tpu.memory_space<hbm>> -> memref<1x64xf32, #tpu.memory_space<hbm>>
      %dma_start3A_174 = arith.constant 0 : i32
      %dma_start3A_175 = tpu.memref_slice %arg4[%squeeze3A_166, %dma_start3A_174] : memref<1000001x64xf32, #tpu.memory_space<hbm>> -> memref<1x64xf32, #tpu.memory_space<hbm>>
      tpu.enqueue_dma source(%dma_start3A_175 : memref<1x64xf32, #tpu.memory_space<hbm>>) target(%dma_start3A_173 : memref<1x64xf32, #tpu.memory_space<hbm>>) target_semaphore(%arg8 : memref<!tpu.dma_semaphore, #tpu.memory_space<semaphore_mem>>)
      %slice3A_176 = vector.extract_strided_slice %select_n3A {offsets = [14], sizes = [1], strides = [1]} : vector<16xi32> to vector<1xi32>
      %squeeze3A_177 = vector.extract %slice3A_176[0] : i32 from vector<1xi32>
      %mul3A_178 = arith.constant 16 : i32
      %mul3A_179 = arith.muli %scan3A_12, %mul3A_178 : i32
      %add3A_180 = arith.addi %mul3A_2, %mul3A_179 : i32
      %add3A_181 = arith.constant 14 : i32
      %add3A_182 = arith.addi %add3A_180, %add3A_181 : i32
      %dma_start3A_183 = arith.constant 0 : i32
      %dma_start3A_184 = tpu.memref_slice %arg5[%add3A_182, %dma_start3A_183] : memref<16384x64xf32, #tpu.memory_space<hbm>> -> memref<1x64xf32, #tpu.memory_space<hbm>>
      %dma_start3A_185 = arith.constant 0 : i32
      %dma_start3A_186 = tpu.memref_slice %arg4[%squeeze3A_177, %dma_start3A_185] : memref<1000001x64xf32, #tpu.memory_space<hbm>> -> memref<1x64xf32, #tpu.memory_space<hbm>>
      tpu.enqueue_dma source(%dma_start3A_186 : memref<1x64xf32, #tpu.memory_space<hbm>>) target(%dma_start3A_184 : memref<1x64xf32, #tpu.memory_space<hbm>>) target_semaphore(%arg8 : memref<!tpu.dma_semaphore, #tpu.memory_space<semaphore_mem>>)
      %slice3A_187 = vector.extract_strided_slice %select_n3A {offsets = [15], sizes = [1], strides = [1]} : vector<16xi32> to vector<1xi32>
      %squeeze3A_188 = vector.extract %slice3A_187[0] : i32 from vector<1xi32>
      %mul3A_189 = arith.constant 16 : i32
      %mul3A_190 = arith.muli %scan3A_12, %mul3A_189 : i32
      %add3A_191 = arith.addi %mul3A_2, %mul3A_190 : i32
      %add3A_192 = arith.constant 15 : i32
      %add3A_193 = arith.addi %add3A_191, %add3A_192 : i32
      %dma_start3A_194 = arith.constant 0 : i32
      %dma_start3A_195 = tpu.memref_slice %arg5[%add3A_193, %dma_start3A_194] : memref<16384x64xf32, #tpu.memory_space<hbm>> -> memref<1x64xf32, #tpu.memory_space<hbm>>
      %dma_start3A_196 = arith.constant 0 : i32
      %dma_start3A_197 = tpu.memref_slice %arg4[%squeeze3A_188, %dma_start3A_196] : memref<1000001x64xf32, #tpu.memory_space<hbm>> -> memref<1x64xf32, #tpu.memory_space<hbm>>
      tpu.enqueue_dma source(%dma_start3A_197 : memref<1x64xf32, #tpu.memory_space<hbm>>) target(%dma_start3A_195 : memref<1x64xf32, #tpu.memory_space<hbm>>) target_semaphore(%arg8 : memref<!tpu.dma_semaphore, #tpu.memory_space<semaphore_mem>>)
    }
    %scan3A_7 = arith.constant 32 : i32
    %dma_wait3A = arith.constant 0 : i32
    %dma_wait3A_8 = tpu.memref_slice %arg5[%mul3A_2, %dma_wait3A] : memref<16384x64xf32, #tpu.memory_space<hbm>> -> memref<512x64xf32, #tpu.memory_space<hbm>>
    %dma_wait3A_9 = arith.constant 0 : i32
    %dma_wait3A_10 = arith.constant 0 : i32
    %dma_wait3A_11 = tpu.memref_slice %arg4[%dma_wait3A_9, %dma_wait3A_10] : memref<1000001x64xf32, #tpu.memory_space<hbm>> -> memref<512x64xf32, #tpu.memory_space<hbm>>
    tpu.wait_dma2 semaphore(%arg8 : memref<!tpu.dma_semaphore, #tpu.memory_space<semaphore_mem>>) src(%dma_wait3A_11 : memref<512x64xf32, #tpu.memory_space<hbm>>) dst(%dma_wait3A_8 : memref<512x64xf32, #tpu.memory_space<hbm>>)
    return
  }
}

</mosaic_0001>

<sc_bundles>
// kernel: kernel.3.cloned.1.call-start
scs
__scs_entry_jumppad:
0x0: {  	(pc) =	sbr.rel $0x88, $3  }
0x1: {  	(tag) =	ssettag $0x0;
	lr =	simm.s32 $0x1  }
0x2: {  	[smem:$0x3F9E] =	sst lr;
	_ =	strace $0xD0000000  }
0x3: {  	_ = 	snop  }
0x4: {  	_ = 	snop  }
0x5: {  	_ = 	snop  }
0x6: {  	_ = 	snop  }
0x7: {  	_ = 	snop  }
__scs_overlays_trampoline_lowered:
0x8: {  	[smem:$0x3FAD] =	sst s0  }
0x9: {  	[smem:$0x3FAE] =	sst s1  }
0xa: {  	[smem:$0x3FAF] =	sst s2  }
0xb: {  	[smem:$0x3FB0] =	sst s3  }
0xc: {  	[smem:$0x3FB1] =	sst s4  }
0xd: {  	[smem:$0x3FB2] =	sst s5  }
0xe: {  	[smem:$0x3FB3] =	sst s6  }
0xf: {  	[smem:$0x3FB4] =	sst s7  }
0x10: {  	[smem:$0x3FB5] =	sst s8  }
0x11: {  	[smem:$0x3FB6] =	sst s9;
	s0 =	simm.s32 @!p0 $0x0  }
0x12: {  	s1 =	sld [smem:$0x3F9C];
	s0 =	simm.s32 @p0 $0x1  }
0x13: {  	[smem:$0x3FB7] =	sst s0;
	s0 =	simm.s32 @!p1 $0x0  }
0x14: {  	s2 =	sld [smem:$0x3F9B];
	s0 =	simm.s32 @p1 $0x1  }
0x15: {  	[smem:$0x3FB8] =	sst s0;
	s0 =	simm.s32 @!p2 $0x0  }
0x16: {  	s3 =	sld [smem:$0x3FDB];
	s0 =	simm.s32 @p2 $0x1  }
0x17: {  	s4 =	simm.s32 $0x1BF5;
	[smem:$0x3FBA] =	sst s0  }
0x18: {  	s0 =	sld [smem:$0x3F9D];
	_ =	swait.ge [sflag:s4], $0x0  }
0x19: {  	s7 =	sld [smem:$0x3F9E]  }
0x1a: {  	s8 =	sadd.s32 $0xFFFFE003, lr  }
0x1b: {  	s9 =	sadd.s32 $0xFFFFFEF7, lr;
	s5 =	simm.s32 $0xFFFFFFFF;
	p2 =	slt.u32 s8, $0xFFFFF086  }
0x1c: {  	p1 =	slt.u32 s9, $0xF7A;
	s5 =	simm.s32 @!p2 $0x0  }
0x1d: {  	s5 =	simm.s32 @p1 $0x1;
	p0 =	seq.s32 s7, s2  }
0x1e: {  	s7 =	smul.u32 @!p0 $0xF7A, s2;
	p2 =	seq.s32 @!p0 s5, $0x0  }
0x1f: {  	s9 =	smul.u32 $0xF7A, s1;
	s8 =	simm.s32 @!p0 $0x1BF5;
	p2 =	por !p2, p0  }
0x20: {  	[sflag:s8] =	ssyncset.s32 @!p0 $0xFFFFF086;
	s6 =	sadd.s32 @!p0 s3, s7;
	s7 =	simm.s32 @!p0 $0x108  }
0x21: {  	s3 =	sadd.s32 s3, s9;
	s6 =	sadd.s32 @!p0 $0x88, s6;
	s7 =	simm.s32 @p2 $0x1082  }
0x22: {  	[simem:s7], [sflag:s8] =	dma.local @!p0 [hbm:s6], $0xF7A  }
0x23: {  	s9 =	sor.u32 $0xD0000000, s2;
	s6 =	simm.s32 $0x108;
	_ =	swait.ge @!p0 [sflag:s8], $0x0  }
0x24: {  	s3 =	sadd.s32 $0x88, s3;
	s6 =	simm.s32 @!p1 $0x1082;
	[sflag:s4] =	ssyncset.s32 $0xFFFFF086  }
0x25: {  	[simem:s6], [sflag:s4] =	dma.local [hbm:s3], $0xF7A  }
0x26: {  	[smem:$0x3F9E] =	sst s1;
	(tag) =	ssettag s2;
	_ =	strace s9  }
0x27: {  	s1 =	sld [smem:$0x3FAE]  }
0x28: {  	s2 =	sld [smem:$0x3FAF]  }
0x29: {  	s4 =	sld [smem:$0x3FB1]  }
0x2a: {  	p0 =	seq.s32 s5, $0x0;
	s5 =	sld [smem:$0x3FB2]  }
0x2b: {  	s6 =	sld [smem:$0x3FB3]  }
0x2c: {  	s7 =	sld [smem:$0x3FB4]  }
0x2d: {  	s3 =	simm.s32 $0x108;
	s8 =	sld [smem:$0x3FB5]  }
0x2e: {  	s3 =	simm.s32 @!p0 $0x1082;
	s9 =	sld [smem:$0x3FB6]  }
0x2f: {  	lr =	sadd.s32 s0, s3;
	s0 =	sld [smem:$0x3FAD]  }
0x30: {  	s3 =	sld [smem:$0x3FB0]  }
0x31: {  	[smem:$0x3FB9] =	sst s10  }
0x32: {  	s10 =	sld [smem:$0x3FB7];
	_ =	sdelay $0x3  }
0x33: {  	p0 =	seq.s32 s10, $0x1;
	s10 =	sld [smem:$0x3FB9];
	_ =	sdelay $0x3  }
0x34: {  	[smem:$0x3FB9] =	sst s10  }
0x35: {  	s10 =	sld [smem:$0x3FB8];
	_ =	sdelay $0x3  }
0x36: {  	p1 =	seq.s32 s10, $0x1;
	s10 =	sld [smem:$0x3FB9];
	_ =	sdelay $0x3  }
0x37: {  	[smem:$0x3FB9] =	sst s10  }
0x38: {  	s10 =	sld [smem:$0x3FBA]  }
0x39: {  	_ = 	snop;
	(pc) =	sbr.ind lr, $3  }
0x3a: {  	_ = 	snop  }
0x3b: {  	_ = 	snop  }
0x3c: {  	p2 =	seq.s32 s10, $0x1;
	s10 =	sld [smem:$0x3FB9]  }
0x3d: {  	_ =	shalt  }
0x3e: {  	_ =	shalt  }
0x3f: {  	_ =	shalt  }
0x40: {  	_ =	shalt  }
0x41: {  	_ =	shalt  }
0x42: {  	_ =	shalt  }
0x43: {  	_ =	shalt  }
0x44: {  	_ =	shalt  }
0x45: {  	_ =	shalt  }
0x46: {  	_ =	shalt  }
0x47: {  	_ =	shalt  }
0x48: {  	_ =	shalt  }
0x49: {  	_ =	shalt  }
0x4a: {  	_ =	shalt  }
0x4b: {  	_ =	shalt  }
0x4c: {  	_ =	shalt  }
0x4d: {  	_ =	shalt  }
0x4e: {  	_ =	shalt  }
0x4f: {  	_ =	shalt  }
0x50: {  	_ =	shalt  }
0x51: {  	_ =	shalt  }
0x52: {  	_ =	shalt  }
0x53: {  	_ =	shalt  }
0x54: {  	_ =	shalt  }
0x55: {  	_ =	shalt  }
0x56: {  	_ =	shalt  }
0x57: {  	_ =	shalt  }
0x58: {  	_ =	shalt  }
0x59: {  	_ =	shalt  }
0x5a: {  	_ =	shalt  }
0x5b: {  	_ =	shalt  }
0x5c: {  	_ =	shalt  }
0x5d: {  	_ =	shalt  }
0x5e: {  	_ =	shalt  }
0x5f: {  	_ =	shalt  }
0x60: {  	_ =	shalt  }
0x61: {  	_ =	shalt  }
0x62: {  	_ =	shalt  }
0x63: {  	_ =	shalt  }
0x64: {  	_ =	shalt  }
0x65: {  	_ =	shalt  }
0x66: {  	_ =	shalt  }
0x67: {  	_ =	shalt  }
0x68: {  	_ =	shalt  }
0x69: {  	_ =	shalt  }
0x6a: {  	_ =	shalt  }
0x6b: {  	_ =	shalt  }
0x6c: {  	_ =	shalt  }
0x6d: {  	_ =	shalt  }
0x6e: {  	_ =	shalt  }
0x6f: {  	_ =	shalt  }
0x70: {  	_ =	shalt  }
0x71: {  	_ =	shalt  }
0x72: {  	_ =	shalt  }
0x73: {  	_ =	shalt  }
0x74: {  	_ =	shalt  }
0x75: {  	_ =	shalt  }
0x76: {  	_ =	shalt  }
0x77: {  	_ =	shalt  }
0x78: {  	_ =	shalt  }
0x79: {  	_ =	shalt  }
0x7a: {  	_ =	shalt  }
0x7b: {  	_ =	shalt  }
0x7c: {  	_ =	shalt  }
0x7d: {  	_ =	shalt  }
0x7e: {  	_ =	shalt  }
0x7f: {  	_ =	shalt  }
0x80: {  	_ =	shalt  }
0x81: {  	_ =	shalt  }
0x82: {  	_ =	shalt  }
0x83: {  	_ =	shalt  }
0x84: {  	_ =	shalt  }
0x85: {  	_ =	shalt  }
0x86: {  	_ =	shalt  }
0x87: {  	_ =	shalt  }
.Lfunc_end0:
.L_simem_size_0:
called_computation_lowered:
.L_overlay_start_0:
0x88: {  	s2 =	sld [smem:$0x3FD9]  }
0x89: {  	s3 =	sld [smem:$0x3FFE];
	_ =	sdelay $0x1  }
0x8a: {  	s1 =	srdreg.scid  }
0x8b: {  	s0 =	sand.u32 $0x1, s1  }
0x8c: {  	s17 =	sshll.u32 s0, $0xA;
	s2 =	sadd.s32 s3, s2  }
0x8d: {  	s2 =	sadd.s32 s2, s17  }
0x8e: {  	[smem:$0x3FC5] =	sst s2  }
0x8f: {  	_ = 	snop  }
0x90: {  	s2 =	sld [smem:$0x3FC9]  }
0x91: {  	s18 =	sld [smem:$0x3FD0];
	(tm) =	ssettm $0x1  }
0x92: {  	s4 =	sld [smem:$0x3FFB];
	_ =	sdelay $0x3  }
0x93: {  	_ =	strace s4  }
0x94: {  	s4 =	sld [smem:$0x3FFC];
	_ =	sdelay $0x3  }
0x95: {  	_ =	strace s4  }
0x96: {  	s4 =	sld [smem:$0x3FFD];
	_ =	sdelay $0x3  }
0x97: {  	_ =	strace s4  }
0x98: {  	_ =	strace $0x8FFFFFFF  }
0x99: {  	s19 =	sld [smem:$0x3FDB];
	_ =	sdelay $0x1  }
0x9a: {  	s5 =	simm.s32 $_scs_section_size  }
0x9b: {  	s6 =	simm.s32 $_size__tile_overlayer_lowered;
	s7 =	simm.s32 $_tile_overlayer_lowered  }
0x9c: {  	s22 =	simm.s32 $0x1BFF;
	s21 =	sshll.u32 s7, $0x1;
	s4 =	sadd.s32 s5, s19  }
0x9d: {  	s8 =	simm.s32 $0x0;
	s20 =	sshll.u32 s6, $0x1;
	s6 =	sadd.s32 s21, s4  }
0x9e: {  	[timem:s8], [sflag:s22] =	dma.local [hbm:s6], s20  }
0x9f: {  	_ =	swait.ge [sflag:s22], s20  }
0xa0: {  	s5 =	ssub.s32 $0x0, s20;
	[sflag:s22] =	ssyncset.done $0x0  }
0xa1: {  	[sflag:s22] =	ssyncadd.s32 s5;
	_ =	sdelay $0x1  }
0xa2: {  	s23 =	simm.s32 $0x1B8B  }
0xa3: {  	_ =	swait.ge [sflag:s23], $0x1  }
0xa4: {  	[sflag:s23] =	ssyncset.done $0x0  }
0xa5: {  	s25 =	simm.s32 $0x1B8E;
	s24 =	sld [smem:$0x3FFE];
	[sflag:s23] =	ssyncadd.s32 $0xFFFFFFFF  }
0xa6: {  	s26 =	simm.s32 $execute0_lowered;
	[smem:$0x3FD2] =	sst s25  }
0xa7: {  	s6 =	sshll.u32 s26, $0x1;
	_ =	strace $0x80000046;
	[dreg:$0x1] =	wrdreg $0xFFFFFFFF  }
0xa8: {  	s28 =	simm.s32 $_size_execute0_lowered;
	s4 =	sadd.s32 s4, s6;
	[dreg:$0x0] =	wrdreg $0x0  }
0xa9: {  	s6 =	sshll.u32 s28, $0x1;
	[dreg:$0x2] =	wrdreg s4  }
0xaa: {  	[dreg:$0x3] =	wrdreg s6  }
0xab: {  	[dreg:$0x4] =	wrdreg $0xC0  }
0xac: {  	_ =	task [dreg:s8], $0x5FFFF  }
0xad: {  	[dreg:$0x1] =	wrdreg $0xFFFFFFFF  }
0xae: {  	[dreg:$0x0] =	wrdreg $0x60  }
0xaf: {  	[dreg:$0x2] =	wrdreg s2  }
0xb0: {  	[dreg:$0x3] =	wrdreg s18  }
0xb1: {  	[dreg:$0x4] =	wrdreg s24  }
0xb2: {  	[dreg:$0x5] =	wrdreg $0x9  }
0xb3: {  	_ =	task.clear_ibuf [dreg:s8], $0x6FFFF;
	_ =	strace $0x90000046  }
0xb4: {  	s29 =	simm.s32 $0x9;
	_ =	strace $0x80000048  }
0xb5: {  	_ =	swait.ge [sflag:s29], $0x1  }
0xb6: {  	[sflag:s29] =	ssyncadd.s32 $0xFFFFFFFF  }
0xb7: {  	_ =	strace $0x90000048  }
0xb8: {  	_ =	sfence  }
0xb9: {  	s30 =	sld [smem:$0x0];
	_ =	sdelay $0x2  }
0xba: {  	s31 =	sshll.u32 s1, $0xD;
	s1 =	sshrl.u32 s1, $0x2  }
0xbb: {  	s3 =	sand.u32 $0x4000, s31;
	s1 =	sadd.s32 s1, s30  }
0xbc: {  	s0 =	sor.u32 s3, s0;
	s1 =	sshll.u32 s1, $0x11  }
0xbd: {  	s0 =	sor.u32 s1, s0  }
0xbe: {  	s0 =	sadd.s32 $0x8F2B, s0  }
0xbf: {  	[sflag:s0] =	ssyncadd.remote.s32 $0x1  }
0xc0: {  	_ =	sfence.sel $0xFFFF  }
0xc1: {  	[dreg:$0x0] =	wrdreg $0xFFFFFFFF;
	(pc) =	sbr.abs _section_cstart, $3  }
0xc2: {  	[dreg:$0x1] =	wrdreg $0xFFFFFFFF  }
0xc3: {  	_ =	task.clear_ibuf [dreg:s8], $0x2FFFF;
	_ =	strace $0x9FFFFFFF  }
0xc4: {  	(tm) =	ssettm $0x7FFFFFFF  }
0xc5: {  	_ =	shalt  }
tec
execute0_lowered:
.L_overlay_start_1:
0x0: {  	(tag) =	ssettag $0x1  }
0x1: {  	s4 =	rddreg [dreg:$0x0]  }
0x2: {  	s5 =	rddreg [dreg:$0x1]  }
0x3: {  	s6 =	rddreg [dreg:$0x2];
	s0 =	simm.s32 $0x0;
	s7 =	srdreg.scid  }
0x4: {  	s25 =	stileid.u32;
	s3 =	sadd.s32 $0x400, s6;
	s7 =	sand.u32 $0x1, s7  }
0x5: {  	s8 =	sshll.u32 s25, $0xE;
	s9 =	sshll.u32 s25, $0xA;
	s10 =	sshll.u32 s7, $0x9  }
0x6: {  	s6 =	sadd.s32 s8, s6;
	s26 =	ssub.s32 $0x2, s7;
	s7 =	sshll.u32 s7, $0xD  }
0x7: {  	[smem:$0x7FF] =	sst s0;
	s9 =	sor.u32 s10, s9;
	s7 =	sadd.s32 s7, s6  }
0x8: {  	_ =	strace $0x80000047;
	s9 =	sshrl.u32 s9, $0x3;
	s7 =	sadd.s32 $0xF42A00, s7  }
0x9: {  	s28 =	sshrl.u32 s26, $0x1;
	s1 =	sadd.s32 s4, s9;
	[dreg:$0x4] =	wrdreg s7  }
0xa: {  	s8 =	ssub.s32 s26, s28;
	s29 =	sadd.s32 s5, s9;
	[dreg:$0xc] =	wrdreg s1  }
0xb: {  	s31 =	sshll.u32 s25, $0x6;
	s30 =	smax.u32 s8, $0x1;
	[dreg:$0xd] =	wrdreg s29  }
0xc: {  	s2 =	simm.s32 $0x0;
	s8 =	sor.u32 $0x1C01, s31;
	[dreg:$0xe] =	wrdreg s30  }
.LBB2_1:
0xd: {  	[dreg:$0xf] =	wrdreg s2  }
0xe: {  	s0 =	simm.s32 $0x0;
	s1 =	rddreg [dreg:$0xc];
	s30 =	simm.s32 $0x2  }
0xf: {  	[tilespmem:s0], [sflag:$0x2] =	stream.linear.gather [hbm4b:s1+s0], $0x200, $0x38;
	[tilespmem:$0x400] =	vst v63  }
0x10: {  	_ =	swait.ge [sflag:s30], $0x200  }
0x11: {  	[sflag:s30] =	ssyncset.done $0x0  }
0x12: {  	s12 =	simm.s32 $0x200;
	s31 =	rddreg [dreg:$0xd];
	[sflag:s30] =	ssyncadd.s32 $0xFFFFFE00  }
0x13: {  	[tilespmem:s12], [sflag:$0x2] =	stream.linear.gather [hbm4b:s31+s0], $0x200, $0x38;
	[tilespmem:$0x400] =	vst v63  }
0x14: {  	_ =	swait.ge [sflag:s30], $0x200  }
0x15: {  	[sflag:s30] =	ssyncset.done $0x0  }
0x16: {  	[sflag:s30] =	ssyncadd.s32 $0xFFFFFE00  }
0x17: {  	v0 =	vld [tilespmem:s12+$0x0]  }
0x18: {  	v1 =	vld [tilespmem:s0+$0x0];
	_ =	sdelay $0x3  }
0x19: {  	vm0 =	veq.s32 v0, $0x0  }
0x1a: {  	v0 =	vnsel vm0, $0xF4240, v1  }
0x1b: {  	v0 =	vshll.u32 v0, $0x4  }
0x1c: {  	(v2sf) =	vpush v0, $0x0  }
0x1d: {  	(v2sf) =	vpush v0, $0x1  }
0x1e: {  	(v2sf) =	vpush v0, $0xB  }
0x1f: {  	s11 =	rddreg [dreg:$0x4];
	(v2sf) =	vpush v0, $0x9  }
0x20: {  	s11 =	sadd.s32 $0x0, s11;
	(v2sf) =	vpush v0, $0xC  }
0x21: {  	s13 =	simm.s32 $0x100;
	s14 =	simm.s32 $0x0;
	s22 =	sadd.s32 $0x10, s11;
	(v2sf) =	vpush v0, $0x4  }
.LBB2_2:
0x22: {  	_ = 	snop  }
0x23: {  	(v2sf) =	vpush v0, $0x5  }
0x24: {  	(v2sf) =	vpush v0, $0x6  }
0x25: {  	(v2sf) =	vpush v0, $0xD  }
0x26: {  	(v2sf) =	vpush v0, $0x3  }
0x27: {  	(v2sf) =	vpush v0, $0x7  }
0x28: {  	s0 =	sadd.s32 $0xC0, s11;
	s9 =	smov.u32 s13;
	(v2sf) =	vpush v0, $0x8  }
0x29: {  	s10 =	sadd.s32 $0x70, s11;
	s15 =	sadd.s32 $0x30, s11;
	[dreg:$0x6] =	wrdreg s0;
	(v2sf) =	vpush v0, $0xE  }
0x2a: {  	s16 =	sadd.s32 $0x40, s11;
	s23 =	sadd.s32 $0x20, s11;
	[dreg:$0x5] =	wrdreg s9;
	(v2sf) =	vpush v0, $0x2  }
0x2b: {  	s17 =	sadd.s32 $0xF0, s11;
	[dreg:$0x8] =	wrdreg s10;
	s28 =	spop (v2sf);
	(v2sf) =	vpush v0, $0xF  }
0x2c: {  	s18 =	sadd.s32 $0xB0, s11;
	[dreg:$0xb] =	wrdreg s15;
	s26 =	spop (v2sf);
	(v2sf) =	vpush v0, $0xA  }
0x2d: {  	s24 =	sadd.s32 $0x80, s11;
	s25 =	sadd.s32 $0xA0, s11;
	[dreg:$0xa] =	wrdreg s16  }
0x2e: {  	s30 =	sadd.s32 $0x60, s11;
	[dreg:$0x7] =	wrdreg s17;
	s31 =	spop (v2sf)  }
0x2f: {  	[dreg:$0x9] =	wrdreg s18;
	s28 =	sand.u32 $0x1FFFFFF0, s28;
	s19 =	spop (v2sf)  }
0x30: {  	s29 =	sand.u32 $0x1FFFFFF0, s26;
	s26 =	sadd.s32 $0x90, s11;
	s21 =	spop (v2sf)  }
0x31: {  	s2 =	sadd.s32 s3, s28;
	s28 =	sadd.s32 $0xE0, s11;
	s5 =	spop (v2sf)  }
0x32: {  	s4 =	sadd.s32 s3, s29;
	s20 =	sand.u32 $0x1FFFFFF0, s31;
	s6 =	spop (v2sf)  }
0x33: {  	s29 =	sadd.s32 s3, s20;
	s0 =	sand.u32 $0x1FFFFFF0, s19;
	s1 =	spop (v2sf)  }
0x34: {  	s20 =	sadd.s32 $0xD0, s11;
	s31 =	sand.u32 $0x1FFFFFF0, s21;
	s9 =	spop (v2sf)  }
0x35: {  	s0 =	sadd.s32 s3, s0;
	s21 =	sadd.s32 $0x50, s11;
	s7 =	spop (v2sf)  }
0x36: {  	s5 =	sand.u32 $0x1FFFFFF0, s5;
	s31 =	sadd.s32 s3, s31;
	s10 =	spop (v2sf)  }
0x37: {  	s5 =	sadd.s32 s3, s5;
	s6 =	sand.u32 $0x1FFFFFF0, s6;
	s16 =	spop (v2sf)  }
0x38: {  	s6 =	sadd.s32 s3, s6;
	s1 =	sand.u32 $0x1FFFFFF0, s1;
	s15 =	spop (v2sf)  }
0x39: {  	s1 =	sadd.s32 s3, s1;
	s9 =	sand.u32 $0x1FFFFFF0, s9;
	s17 =	spop (v2sf)  }
0x3a: {  	s7 =	sand.u32 $0x1FFFFFF0, s7;
	s17 =	sand.u32 $0x1FFFFFF0, s17;
	s18 =	spop (v2sf)  }
0x3b: {  	s7 =	sadd.s32 s3, s7;
	s17 =	sadd.s32 s3, s17;
	s19 =	spop (v2sf)  }
0x3c: {  	[hbm:s11], [sflag:s8] =	dma.local [hbm:s2], $0x10  }
0x3d: {  	[hbm:s22], [sflag:s8] =	dma.local [hbm:s4], $0x10  }
0x3e: {  	[hbm:s23], [sflag:s8] =	dma.local [hbm:s17], $0x10  }
0x3f: {  	s10 =	sand.u32 $0x1FFFFFF0, s10;
	s16 =	sand.u32 $0x1FFFFFF0, s16;
	s23 =	rddreg [dreg:$0xb]  }
0x40: {  	[hbm:s23], [sflag:s8] =	dma.local [hbm:s7], $0x10  }
0x41: {  	s10 =	sadd.s32 s3, s10;
	s19 =	sand.u32 $0x1FFFFFF0, s19;
	s2 =	rddreg [dreg:$0xa]  }
0x42: {  	[hbm:s2], [sflag:s8] =	dma.local [hbm:s5], $0x10  }
0x43: {  	[hbm:s21], [sflag:s8] =	dma.local [hbm:s6], $0x10  }
0x44: {  	[hbm:s30], [sflag:s8] =	dma.local [hbm:s1], $0x10  }
0x45: {  	s16 =	sadd.s32 s3, s16;
	s19 =	sadd.s32 s3, s19;
	s1 =	rddreg [dreg:$0x8]  }
0x46: {  	[hbm:s1], [sflag:s8] =	dma.local [hbm:s10], $0x10  }
0x47: {  	[hbm:s24], [sflag:s8] =	dma.local [hbm:s16], $0x10  }
0x48: {  	[hbm:s26], [sflag:s8] =	dma.local [hbm:s0], $0x10  }
0x49: {  	[hbm:s25], [sflag:s8] =	dma.local [hbm:s19], $0x10  }
0x4a: {  	s9 =	sadd.s32 s3, s9;
	s15 =	sand.u32 $0x1FFFFFF0, s15;
	s26 =	rddreg [dreg:$0x9]  }
0x4b: {  	[hbm:s26], [sflag:s8] =	dma.local [hbm:s29], $0x10  }
0x4c: {  	s15 =	sadd.s32 s3, s15;
	s18 =	sand.u32 $0x1FFFFFF0, s18;
	s0 =	rddreg [dreg:$0x6]  }
0x4d: {  	[hbm:s0], [sflag:s8] =	dma.local [hbm:s31], $0x10  }
0x4e: {  	[hbm:s20], [sflag:s8] =	dma.local [hbm:s9], $0x10  }
0x4f: {  	[hbm:s28], [sflag:s8] =	dma.local [hbm:s15], $0x10  }
0x50: {  	s12 =	sadd.s32 $0x10, s12;
	s18 =	sadd.s32 s3, s18;
	s30 =	rddreg [dreg:$0x7]  }
0x51: {  	[hbm:s30], [sflag:s8] =	dma.local [hbm:s18], $0x10  }
0x52: {  	s14 =	sadd.s32 $0x10, s14;
	v0 =	vld [tilespmem:s12+$0x0]  }
0x53: {  	v1 =	vld [tilespmem:s14+$0x0];
	_ =	sdelay $0x3  }
0x54: {  	vm0 =	veq.s32 v0, $0x0  }
0x55: {  	v0 =	vnsel vm0, $0xF4240, v1  }
0x56: {  	v0 =	vshll.u32 v0, $0x4  }
0x57: {  	p0 =	sne.s32 s13, $0x1F00;
	(v2sf) =	vpush v0, $0x0  }
.Ltmp0:
0x58: {  	(v2sf) =	vpush v0, $0x1;
	(pc) =	sbr.rel @p0 .LBB2_2-.Ltmp0, $4  }
0x59: {  	s0 =	rddreg [dreg:$0x4];
	(v2sf) =	vpush v0, $0xB  }
0x5a: {  	s31 =	rddreg [dreg:$0x5];
	(v2sf) =	vpush v0, $0x9  }
0x5b: {  	s11 =	sadd.s32 s31, s0;
	(v2sf) =	vpush v0, $0xC  }
0x5c: {  	s13 =	sadd.s32 $0x100, s13;
	s22 =	sadd.s32 $0x10, s11;
	(v2sf) =	vpush v0, $0x4  }
0x5d: {  	(v2sf) =	vpush v0, $0x5  }
0x5e: {  	(v2sf) =	vpush v0, $0x6  }
0x5f: {  	(v2sf) =	vpush v0, $0xD  }
0x60: {  	(v2sf) =	vpush v0, $0x3  }
0x61: {  	(v2sf) =	vpush v0, $0x7  }
0x62: {  	(v2sf) =	vpush v0, $0x8  }
0x63: {  	(v2sf) =	vpush v0, $0xE  }
0x64: {  	(v2sf) =	vpush v0, $0x2  }
0x65: {  	(v2sf) =	vpush v0, $0xF  }
0x66: {  	s0 =	spop (v2sf);
	(v2sf) =	vpush v0, $0xA  }
0x67: {  	s1 =	spop (v2sf)  }
0x68: {  	s2 =	spop (v2sf)  }
0x69: {  	s4 =	spop (v2sf)  }
0x6a: {  	s5 =	spop (v2sf)  }
0x6b: {  	s6 =	spop (v2sf)  }
0x6c: {  	s7 =	spop (v2sf)  }
0x6d: {  	s9 =	spop (v2sf)  }
0x6e: {  	s10 =	spop (v2sf)  }
0x6f: {  	s12 =	spop (v2sf)  }
0x70: {  	s13 =	spop (v2sf)  }
0x71: {  	s14 =	spop (v2sf)  }
0x72: {  	s15 =	spop (v2sf)  }
0x73: {  	s16 =	spop (v2sf)  }
0x74: {  	s0 =	sand.u32 $0x1FFFFFF0, s0;
	s17 =	spop (v2sf)  }
0x75: {  	s0 =	sadd.s32 s3, s0;
	s20 =	sand.u32 $0x1FFFFFF0, s1;
	s18 =	spop (v2sf)  }
0x76: {  	[hbm:s11], [sflag:s8] =	dma.local [hbm:s0], $0x10  }
0x77: {  	s21 =	sand.u32 $0x1FFFFFF0, s16;
	s0 =	sadd.s32 s3, s20  }
0x78: {  	[hbm:s22], [sflag:s8] =	dma.local [hbm:s0], $0x10  }
0x79: {  	s23 =	sand.u32 $0x1FFFFFF0, s12;
	s22 =	sadd.s32 $0x20, s11;
	s0 =	sadd.s32 s3, s21  }
0x7a: {  	[hbm:s22], [sflag:s8] =	dma.local [hbm:s0], $0x10  }
0x7b: {  	s24 =	sadd.s32 $0x30, s11;
	s25 =	sand.u32 $0x1FFFFFF0, s6;
	s0 =	sadd.s32 s3, s23  }
0x7c: {  	[hbm:s24], [sflag:s8] =	dma.local [hbm:s0], $0x10  }
0x7d: {  	s26 =	sadd.s32 $0x40, s11;
	s28 =	sand.u32 $0x1FFFFFF0, s7;
	s0 =	sadd.s32 s3, s25  }
0x7e: {  	[hbm:s26], [sflag:s8] =	dma.local [hbm:s0], $0x10  }
0x7f: {  	s29 =	sadd.s32 $0x50, s11;
	s30 =	sand.u32 $0x1FFFFFF0, s9;
	s0 =	sadd.s32 s3, s28  }
0x80: {  	[hbm:s29], [sflag:s8] =	dma.local [hbm:s0], $0x10  }
0x81: {  	s31 =	sadd.s32 $0x60, s11;
	s1 =	sand.u32 $0x1FFFFFF0, s13;
	s0 =	sadd.s32 s3, s30  }
0x82: {  	[hbm:s31], [sflag:s8] =	dma.local [hbm:s0], $0x10  }
0x83: {  	s6 =	sadd.s32 $0x70, s11;
	s7 =	sand.u32 $0x1FFFFFF0, s14;
	s0 =	sadd.s32 s3, s1  }
0x84: {  	[hbm:s6], [sflag:s8] =	dma.local [hbm:s0], $0x10  }
0x85: {  	s9 =	sadd.s32 $0x80, s11;
	s12 =	sand.u32 $0x1FFFFFF0, s4;
	s0 =	sadd.s32 s3, s7  }
0x86: {  	[hbm:s9], [sflag:s8] =	dma.local [hbm:s0], $0x10  }
0x87: {  	s13 =	sadd.s32 $0x90, s11;
	s14 =	sand.u32 $0x1FFFFFF0, s18;
	s0 =	sadd.s32 s3, s12  }
0x88: {  	[hbm:s13], [sflag:s8] =	dma.local [hbm:s0], $0x10  }
0x89: {  	s16 =	sadd.s32 $0xA0, s11;
	s18 =	sand.u32 $0x1FFFFFF0, s2;
	s0 =	sadd.s32 s3, s14  }
0x8a: {  	[hbm:s16], [sflag:s8] =	dma.local [hbm:s0], $0x10  }
0x8b: {  	s19 =	sadd.s32 $0xB0, s11;
	s20 =	sand.u32 $0x1FFFFFF0, s5;
	s0 =	sadd.s32 s3, s18  }
0x8c: {  	[hbm:s19], [sflag:s8] =	dma.local [hbm:s0], $0x10  }
0x8d: {  	s21 =	sadd.s32 $0xC0, s11;
	s22 =	sand.u32 $0x1FFFFFF0, s10;
	s0 =	sadd.s32 s3, s20  }
0x8e: {  	[hbm:s21], [sflag:s8] =	dma.local [hbm:s0], $0x10  }
0x8f: {  	s23 =	sadd.s32 $0xD0, s11;
	s24 =	sand.u32 $0x1FFFFFF0, s15;
	s0 =	sadd.s32 s3, s22  }
0x90: {  	[hbm:s23], [sflag:s8] =	dma.local [hbm:s0], $0x10  }
0x91: {  	s25 =	sadd.s32 $0xE0, s11;
	s26 =	sand.u32 $0x1FFFFFF0, s17;
	s0 =	sadd.s32 s3, s24  }
0x92: {  	[hbm:s25], [sflag:s8] =	dma.local [hbm:s0], $0x10  }
0x93: {  	s28 =	sadd.s32 $0xF0, s11;
	s29 =	simm.s32 $0x1;
	s0 =	sadd.s32 s3, s26  }
0x94: {  	[hbm:s28], [sflag:s8] =	dma.local [hbm:s0], $0x10  }
0x95: {  	_ =	swait.ge [sflag:s29], $0x2000  }
0x96: {  	s30 =	rddreg [dreg:$0xf]  }
0x97: {  	s31 =	rddreg [dreg:$0xe];
	s2 =	sadd.s32 $0x1, s30  }
0x98: {  	p0 =	sne.s32 s2, s31  }
.Ltmp1:
0x99: {  	_ = 	snop;
	(pc) =	sbr.rel @p0 .LBB2_1-.Ltmp1, $3  }
0x9a: {  	_ =	sdelay $0x1  }
0x9b: {  	[sflag:s29] =	ssyncset.done $0x0  }
0x9c: {  	[sflag:s29] =	ssyncadd.s32 $0xFFFFE000  }
0x9d: {  	_ =	sfence.sel $0x180000  }
0x9e: {  	[bflag:$0x0] =	sbarrier.arrive $0xFFFF  }
0x9f: {  	_ =	strace $0x90000047  }
0xa0: {  	s0 =	stileid.u32;
	[bflag:$0x2] =	sbarrier.arrive $0xFFFF  }
0xa1: {  	p0 =	sne.s32 s0, $0x0;
	s0 =	rddreg [dreg:$0x3]  }
0xa2: {  	s0 =	sadd.s32 @!p0 $0x100000, s0  }
0xa3: {  	[sflag:s0] =	ssyncadd.tile.s32 @!p0 $0x1;
	_ =	shalt  }
.Lfunc_end2:
_tile_overlayer_lowered:
.L_overlay_start_2:
0xa4: {  	(tag) =	ssettag $0x2  }
0xa5: {  	s0 =	rddreg [dreg:$0x0];
	s2 =	stileid.u32  }
0xa6: {  	s1 =	rddreg [dreg:$0x1];
	p0 =	sne.s32 s2, $0x0  }
0xa7: {  	s3 =	rddreg [dreg:$0x2];
	[bflag:$0x3] =	sbarrier.arrive $0xFFFF;
	s2 =	simm.s32 @!p0 $0x1C02  }
0xa8: {  	[timem:s3], [sflag:s2] =	dma.local @!p0 [hbm:s0], s1  }
0xa9: {  	s0 =	simm.s32 @!p0 $0x2  }
0xaa: {  	_ =	swait.ge @!p0 [sflag:s0], s1  }
0xab: {  	s1 =	ssub.s32 @!p0 $0x0, s1;
	[sflag:s0] =	ssyncset.done @!p0 $0x0  }
0xac: {  	[sflag:s0] =	ssyncadd.s32 @!p0 s1  }
0xad: {  	[bflag:$0x3] =	sbarrier.arrive $0xFFFF  }
0xae: {  	_ =	shalt  }

</sc_bundles>
